<compile_context>
chip_gen: v7x
topology: tpu7x:2x2x1
jax: 0.10.2.dev20260603
libtpu: 0.0.44.dev20260713+nightly
codegen_flags: <defaults>
</compile_context>

<pallas_src>
import functools

import jax
import jax.numpy as jnp
from jax import lax
from jax.experimental import pallas as pl
from jax.experimental.pallas import tpu as pltpu
from jax.experimental.pallas import tpu_sc as plsc

B, M, N, K = 4, 2048, 16384, 16
L = 16
NW = 32
BLOCKS_PER_B = NW // B
QPW = M // BLOCKS_PER_B
NG = N // L

@functools.lru_cache(maxsize=None)
def _build_knn_sc():
    mesh = plsc.VectorSubcoreMesh(
        core_axis_name="c", subcore_axis_name="s", num_cores=2, num_subcores=16
    )
    return pl.kernel(
        _knn_body,
        out_type=jax.ShapeDtypeStruct((NW * QPW * K,), jnp.int32),
        mesh=mesh,
        compiler_params=pltpu.CompilerParams(needs_layout_passes=False),
        scratch_types=[
            pltpu.VMEM((N,), jnp.float32),
            pltpu.VMEM((N,), jnp.float32),
            pltpu.VMEM((N,), jnp.float32),
            pltpu.VMEM((N,), jnp.float32),
            pltpu.VMEM((QPW * L,), jnp.float32),
            pltpu.VMEM((QPW * L,), jnp.float32),
            pltpu.VMEM((QPW * L,), jnp.float32),
            pltpu.VMEM((QPW * L,), jnp.float32),
            pltpu.VMEM((QPW * K,), jnp.int32),
        ],
    )


def _knn_body(xyz_t, q_t, out, kx, ky, kz, k2, qx, qy, qz, q2a, ob):
    c = lax.axis_index("c")
    s = lax.axis_index("s")
    w = s * 2 + c
    b = w // BLOCKS_PER_B
    qb = w % BLOCKS_PER_B

    pltpu.sync_copy(xyz_t.at[pl.ds((b * 3 + 0) * N, N)], kx)
    pltpu.sync_copy(xyz_t.at[pl.ds((b * 3 + 1) * N, N)], ky)
    pltpu.sync_copy(xyz_t.at[pl.ds((b * 3 + 2) * N, N)], kz)
    qoff = (b * 3 * M + qb * QPW) * L
    pltpu.sync_copy(q_t.at[pl.ds(qoff + 0 * M * L, QPW * L)], qx)
    pltpu.sync_copy(q_t.at[pl.ds(qoff + 1 * M * L, QPW * L)], qy)
    pltpu.sync_copy(q_t.at[pl.ds(qoff + 2 * M * L, QPW * L)], qz)

    def _bf16_rne(x):
        u = plsc.bitcast(x, jnp.uint32)
        lsb = (u >> 16) & jnp.uint32(1)
        u = (u + jnp.uint32(0x7FFF) + lsb) & jnp.uint32(0xFFFF0000)
        return plsc.bitcast(u, jnp.float32)

    def k2_body(g, _):
        x = kx[pl.ds(g * L, L)]
        y = ky[pl.ds(g * L, L)]
        z = kz[pl.ds(g * L, L)]
        k2[pl.ds(g * L, L)] = x * x + y * y + z * z
        kx[pl.ds(g * L, L)] = _bf16_rne(x)
        ky[pl.ds(g * L, L)] = _bf16_rne(y)
        kz[pl.ds(g * L, L)] = _bf16_rne(z)
        return 0

    lax.fori_loop(0, NG, k2_body, 0)

    def q2_body(i, _):
        x = qx[pl.ds(i * L, L)]
        y = qy[pl.ds(i * L, L)]
        z = qz[pl.ds(i * L, L)]
        q2a[pl.ds(i * L, L)] = x * x + y * y + z * z
        qx[pl.ds(i * L, L)] = _bf16_rne(x)
        qy[pl.ds(i * L, L)] = _bf16_rne(y)
        qz[pl.ds(i * L, L)] = _bf16_rne(z)
        return 0

    lax.fori_loop(0, QPW, q2_body, 0)

    inf = jnp.float32(jnp.inf)

    def q_body(q, _):
        qxv = qx[pl.ds(q * L, L)]
        qyv = qy[pl.ds(q * L, L)]
        qzv = qz[pl.ds(q * L, L)]
        c1 = -2.0 * qxv
        c2 = -2.0 * qyv
        c3 = -2.0 * qzv
        q2v = q2a[pl.ds(q * L, L)]

        def g_body(g, carry):
            bd, bi, ts = carry
            xk = kx[pl.ds(g * L, L)]
            yk = ky[pl.ds(g * L, L)]
            zk = kz[pl.ds(g * L, L)]
            kk = k2[pl.ds(g * L, L)]
            t = kk + c1 * xk + c2 * yk + c3 * zk
            hits = plsc.all_reduce_population_count(t < ts)
            pred = hits[0] > 0

            def slow(cr):
                bd0, bi0, _ = cr
                qk = (qxv * xk + qyv * yk) + qzv * zk
                cd = jnp.maximum((q2v + kk) - 2.0 * qk, 0.0)
                ci = g * L + lax.iota(jnp.int32, L)
                cds, cis = plsc.sort_key_val(cd, ci, descending=True)
                keep = bd0 <= cds
                nd = jnp.where(keep, bd0, cds)
                ni = jnp.where(keep, bi0, cis)
                fd, fi = plsc.sort_key_val(nd, ni)
                thr = fd[L - 1]
                return (fd, fi, (thr - q2v) + 1e-4)

            return lax.cond(pred, slow, lambda cr: cr, (bd, bi, ts))

        init = (
            jnp.full((L,), inf, jnp.float32),
            jnp.zeros((L,), jnp.int32),
            jnp.full((L,), inf, jnp.float32),
        )
        _, bi, _ = lax.fori_loop(0, NG, g_body, init)
        ob[pl.ds(q * K, K)] = bi
        return 0

    lax.fori_loop(0, QPW, q_body, 0)
    pltpu.sync_copy(ob, out.at[pl.ds(w * (QPW * K), QPW * K)])


def kernel(xyz, new_xyz):
    xyz_t = jnp.transpose(xyz, (0, 2, 1)).reshape(-1)
    q_t = jnp.broadcast_to(
        jnp.transpose(new_xyz, (0, 2, 1))[:, :, :, None], (B, 3, M, L)
    ).reshape(-1)
    flat = _build_knn_sc()(xyz_t, q_t)
    return flat.reshape(B, M, K)

# --- scband reference (transcript-rebuilt; emitter-appended) ---
"""Pipeline reference for scband-rand-lanet-11003706212693 (READ-ONLY COPY).

The authoritative reference and input builder live on the scoring server;
editing this copy changes nothing except your own understanding.
"""

import jax, jax.numpy as jnp
import numpy as np

K_NEIGHBORS = 16


def setup_inputs(seed: int = 0) -> dict:
    key = jax.random.key(seed)
    k1, k2 = jax.random.split(key)
    xyz = jax.random.normal(k1, (4, 16384, 3), dtype=jnp.float32)
    new_xyz = jax.random.normal(k2, (4, 2048, 3), dtype=jnp.float32)
    return {"xyz": xyz, "new_xyz": new_xyz}


def _pairwise_sqdist(new_xyz, xyz):
    # Equivalent to sum((new_xyz[:, :, None, :] - xyz[:, None, :, :])**2, -1)
    # computed via the quadratic expansion to avoid materializing the
    # [B, M, N, 3] broadcast tensor. Same math as the torch module.
    q2 = jnp.sum(new_xyz * new_xyz, axis=-1)  # [B, M]
    k2 = jnp.sum(xyz * xyz, axis=-1)          # [B, N]
    qk = jnp.einsum('bmd,bnd->bmn', new_xyz, xyz)  # [B, M, N]
    dist = q2[:, :, None] + k2[:, None, :] - 2.0 * qk
    return jnp.maximum(dist, 0.0)


def reference(xyz, new_xyz):
    # KNN.forward: returns indices of the k smallest squared distances.
    dist = _pairwise_sqdist(new_xyz, xyz)          # [B, M, N]
    _, idx = jax.lax.top_k(-dist, K_NEIGHBORS)     # smallest-k via top_k of negated
    return idx                                      # [B, M, k] int32

if __name__ == "__main__":
    import jax
    _d = setup_inputs()
    print(jax.jit(kernel)(*tuple(_d.values())))

</pallas_src>

<mosaic_0001>
#map = affine_map<(d0, d1) -> (0)>
module attributes {stable_mosaic.version = 14 : i64} {
  func.func @_knn_body(%arg0: i32, %arg1: i32, %arg2: memref<196608xf32, #tpu.memory_space<hbm>>, %arg3: memref<393216xf32, #tpu.memory_space<hbm>>, %arg4: memref<131072xi32, #tpu.memory_space<hbm>>, %arg5: memref<16384xf32, #tpu.memory_space<vmem>>, %arg6: memref<16384xf32, #tpu.memory_space<vmem>>, %arg7: memref<16384xf32, #tpu.memory_space<vmem>>, %arg8: memref<16384xf32, #tpu.memory_space<vmem>>, %arg9: memref<4096xf32, #tpu.memory_space<vmem>>, %arg10: memref<4096xf32, #tpu.memory_space<vmem>>, %arg11: memref<4096xf32, #tpu.memory_space<vmem>>, %arg12: memref<4096xf32, #tpu.memory_space<vmem>>, %arg13: memref<4096xi32, #tpu.memory_space<vmem>>) attributes {dimension_semantics = [#tpu.dimension_semantics<core_parallel>, #tpu.dimension_semantics<subcore_parallel>], iteration_bounds = array<i64: 2, 16>, scalar_prefetch = 0 : i64, scratch_operands = 9 : i64, tpu.core_type = #tpu.core_type<sc_vector_subcore>, window_params = [{transform_indices = #map}, {transform_indices = #map}, {transform_indices = #map}]} {
    %mul3A = arith.constant 2 : i32
    %mul3A_0 = arith.muli %arg1, %mul3A : i32
    %add3A = arith.addi %mul3A_0, %arg0 : i32
    %jit3A = arith.constant 8 : i32
    %div3A = arith.divsi %add3A, %jit3A : i32
    %sign3A = arith.constant 0 : i32
    %sign3A_1 = arith.cmpi sgt, %add3A, %sign3A : i32
    %sign3A_2 = arith.extui %sign3A_1 : i1 to i32
    %sign3A_3 = arith.constant 0 : i32
    %sign3A_4 = arith.cmpi slt, %add3A, %sign3A_3 : i32
    %sign3A_5 = arith.extui %sign3A_4 : i1 to i32
    %sign3A_6 = arith.subi %sign3A_2, %sign3A_5 : i32
    %sign3A_7 = arith.constant 0 : i32
    %sign3A_8 = arith.cmpi sgt, %jit3A, %sign3A_7 : i32
    %sign3A_9 = arith.extui %sign3A_8 : i1 to i32
    %sign3A_10 = arith.constant 0 : i32
    %sign3A_11 = arith.cmpi slt, %jit3A, %sign3A_10 : i32
    %sign3A_12 = arith.extui %sign3A_11 : i1 to i32
    %sign3A_13 = arith.subi %sign3A_9, %sign3A_12 : i32
    %ne3A = arith.cmpi ne, %sign3A_6, %sign3A_13 : i32
    %rem3A = arith.remsi %add3A, %jit3A : i32
    %ne3A_14 = arith.constant 0 : i32
    %ne3A_15 = arith.cmpi ne, %rem3A, %ne3A_14 : i32
    %and3A = arith.andi %ne3A, %ne3A_15 : i1
    %sub3A = arith.constant 1 : i32
    %sub3A_16 = arith.subi %div3A, %sub3A : i32
    %select_n3A = arith.select %and3A, %sub3A_16, %div3A : i32
    %jit3A_17 = arith.constant 8 : i32
    %eq3A = arith.constant 0 : i32
    %eq3A_18 = arith.cmpi eq, %jit3A_17, %eq3A : i32
    %jit3A_19 = arith.constant 1 : i32
    %select_n3A_20 = arith.select %eq3A_18, %jit3A_19, %jit3A_17 : i32
    %rem3A_21 = arith.remsi %add3A, %select_n3A_20 : i32
    %ne3A_22 = arith.constant 0 : i32
    %ne3A_23 = arith.cmpi ne, %rem3A_21, %ne3A_22 : i32
    %lt3A = arith.constant 0 : i32
    %lt3A_24 = arith.cmpi slt, %rem3A_21, %lt3A : i32
    %lt3A_25 = arith.constant 0 : i32
    %lt3A_26 = arith.cmpi slt, %select_n3A_20, %lt3A_25 : i32
    %ne3A_27 = arith.xori %lt3A_24, %lt3A_26 : i1
    %and3A_28 = arith.andi %ne3A_27, %ne3A_23 : i1
    %add3A_29 = arith.addi %rem3A_21, %select_n3A_20 : i32
    %select_n3A_30 = arith.select %and3A_28, %add3A_29, %rem3A_21 : i32
    %mul3A_31 = arith.constant 3 : i32
    %mul3A_32 = arith.muli %select_n3A, %mul3A_31 : i32
    %add3A_33 = arith.constant 0 : i32
    %add3A_34 = arith.addi %mul3A_32, %add3A_33 : i32
    %mul3A_35 = arith.constant 16384 : i32
    %mul3A_36 = arith.muli %add3A_34, %mul3A_35 : i32
    "tpu.region"() ({
      %run_scoped3A = tpu.sem_alloc : memref<!tpu.dma_semaphore, #tpu.memory_space<semaphore_mem>>
      %dma_start3A = tpu.memref_slice %arg2[%mul3A_36] : memref<196608xf32, #tpu.memory_space<hbm>> -> memref<16384xf32, #tpu.memory_space<hbm>>
      %dma_start3A_87 = tpu.memref_slice %arg2[%mul3A_36] : memref<196608xf32, #tpu.memory_space<hbm>> -> memref<16384xf32, #tpu.memory_space<hbm>>
      tpu.enqueue_dma source(%dma_start3A_87 : memref<16384xf32, #tpu.memory_space<hbm>>) target(%arg5 : memref<16384xf32, #tpu.memory_space<vmem>>) target_semaphore(%run_scoped3A : memref<!tpu.dma_semaphore, #tpu.memory_space<semaphore_mem>>)
      %dma_wait3A = tpu.memref_slice %arg2[%mul3A_36] : memref<196608xf32, #tpu.memory_space<hbm>> -> memref<16384xf32, #tpu.memory_space<hbm>>
      %dma_wait3A_88 = tpu.memref_slice %arg2[%mul3A_36] : memref<196608xf32, #tpu.memory_space<hbm>> -> memref<16384xf32, #tpu.memory_space<hbm>>
      tpu.wait_dma2 semaphore(%run_scoped3A : memref<!tpu.dma_semaphore, #tpu.memory_space<semaphore_mem>>) src(%dma_wait3A_88 : memref<16384xf32, #tpu.memory_space<hbm>>) dst(%arg5 : memref<16384xf32, #tpu.memory_space<vmem>>)
      tpu.yield
    }) : () -> ()
    %mul3A_37 = arith.constant 3 : i32
    %mul3A_38 = arith.muli %select_n3A, %mul3A_37 : i32
    %add3A_39 = arith.constant 1 : i32
    %add3A_40 = arith.addi %mul3A_38, %add3A_39 : i32
    %mul3A_41 = arith.constant 16384 : i32
    %mul3A_42 = arith.muli %add3A_40, %mul3A_41 : i32
    "tpu.region"() ({
      %run_scoped3A = tpu.sem_alloc : memref<!tpu.dma_semaphore, #tpu.memory_space<semaphore_mem>>
      %dma_start3A = tpu.memref_slice %arg2[%mul3A_42] : memref<196608xf32, #tpu.memory_space<hbm>> -> memref<16384xf32, #tpu.memory_space<hbm>>
      %dma_start3A_87 = tpu.memref_slice %arg2[%mul3A_42] : memref<196608xf32, #tpu.memory_space<hbm>> -> memref<16384xf32, #tpu.memory_space<hbm>>
      tpu.enqueue_dma source(%dma_start3A_87 : memref<16384xf32, #tpu.memory_space<hbm>>) target(%arg6 : memref<16384xf32, #tpu.memory_space<vmem>>) target_semaphore(%run_scoped3A : memref<!tpu.dma_semaphore, #tpu.memory_space<semaphore_mem>>)
      %dma_wait3A = tpu.memref_slice %arg2[%mul3A_42] : memref<196608xf32, #tpu.memory_space<hbm>> -> memref<16384xf32, #tpu.memory_space<hbm>>
      %dma_wait3A_88 = tpu.memref_slice %arg2[%mul3A_42] : memref<196608xf32, #tpu.memory_space<hbm>> -> memref<16384xf32, #tpu.memory_space<hbm>>
      tpu.wait_dma2 semaphore(%run_scoped3A : memref<!tpu.dma_semaphore, #tpu.memory_space<semaphore_mem>>) src(%dma_wait3A_88 : memref<16384xf32, #tpu.memory_space<hbm>>) dst(%arg6 : memref<16384xf32, #tpu.memory_space<vmem>>)
      tpu.yield
    }) : () -> ()
    %mul3A_43 = arith.constant 3 : i32
    %mul3A_44 = arith.muli %select_n3A, %mul3A_43 : i32
    %add3A_45 = arith.constant 2 : i32
    %add3A_46 = arith.addi %mul3A_44, %add3A_45 : i32
    %mul3A_47 = arith.constant 16384 : i32
    %mul3A_48 = arith.muli %add3A_46, %mul3A_47 : i32
    "tpu.region"() ({
      %run_scoped3A = tpu.sem_alloc : memref<!tpu.dma_semaphore, #tpu.memory_space<semaphore_mem>>
      %dma_start3A = tpu.memref_slice %arg2[%mul3A_48] : memref<196608xf32, #tpu.memory_space<hbm>> -> memref<16384xf32, #tpu.memory_space<hbm>>
      %dma_start3A_87 = tpu.memref_slice %arg2[%mul3A_48] : memref<196608xf32, #tpu.memory_space<hbm>> -> memref<16384xf32, #tpu.memory_space<hbm>>
      tpu.enqueue_dma source(%dma_start3A_87 : memref<16384xf32, #tpu.memory_space<hbm>>) target(%arg7 : memref<16384xf32, #tpu.memory_space<vmem>>) target_semaphore(%run_scoped3A : memref<!tpu.dma_semaphore, #tpu.memory_space<semaphore_mem>>)
      %dma_wait3A = tpu.memref_slice %arg2[%mul3A_48] : memref<196608xf32, #tpu.memory_space<hbm>> -> memref<16384xf32, #tpu.memory_space<hbm>>
      %dma_wait3A_88 = tpu.memref_slice %arg2[%mul3A_48] : memref<196608xf32, #tpu.memory_space<hbm>> -> memref<16384xf32, #tpu.memory_space<hbm>>
      tpu.wait_dma2 semaphore(%run_scoped3A : memref<!tpu.dma_semaphore, #tpu.memory_space<semaphore_mem>>) src(%dma_wait3A_88 : memref<16384xf32, #tpu.memory_space<hbm>>) dst(%arg7 : memref<16384xf32, #tpu.memory_space<vmem>>)
      tpu.yield
    }) : () -> ()
    %mul3A_49 = arith.constant 3 : i32
    %mul3A_50 = arith.muli %select_n3A, %mul3A_49 : i32
    %mul3A_51 = arith.constant 2048 : i32
    %mul3A_52 = arith.muli %mul3A_50, %mul3A_51 : i32
    %mul3A_53 = arith.constant 256 : i32
    %mul3A_54 = arith.muli %select_n3A_30, %mul3A_53 : i32
    %add3A_55 = arith.addi %mul3A_52, %mul3A_54 : i32
    %mul3A_56 = arith.constant 16 : i32
    %mul3A_57 = arith.muli %add3A_55, %mul3A_56 : i32
    %add3A_58 = arith.constant 0 : i32
    %add3A_59 = arith.addi %mul3A_57, %add3A_58 : i32
    "tpu.region"() ({
      %run_scoped3A = tpu.sem_alloc : memref<!tpu.dma_semaphore, #tpu.memory_space<semaphore_mem>>
      %dma_start3A = tpu.memref_slice %arg3[%add3A_59] : memref<393216xf32, #tpu.memory_space<hbm>> -> memref<4096xf32, #tpu.memory_space<hbm>>
      %dma_start3A_87 = tpu.memref_slice %arg3[%add3A_59] : memref<393216xf32, #tpu.memory_space<hbm>> -> memref<4096xf32, #tpu.memory_space<hbm>>
      tpu.enqueue_dma source(%dma_start3A_87 : memref<4096xf32, #tpu.memory_space<hbm>>) target(%arg9 : memref<4096xf32, #tpu.memory_space<vmem>>) target_semaphore(%run_scoped3A : memref<!tpu.dma_semaphore, #tpu.memory_space<semaphore_mem>>)
      %dma_wait3A = tpu.memref_slice %arg3[%add3A_59] : memref<393216xf32, #tpu.memory_space<hbm>> -> memref<4096xf32, #tpu.memory_space<hbm>>
      %dma_wait3A_88 = tpu.memref_slice %arg3[%add3A_59] : memref<393216xf32, #tpu.memory_space<hbm>> -> memref<4096xf32, #tpu.memory_space<hbm>>
      tpu.wait_dma2 semaphore(%run_scoped3A : memref<!tpu.dma_semaphore, #tpu.memory_space<semaphore_mem>>) src(%dma_wait3A_88 : memref<4096xf32, #tpu.memory_space<hbm>>) dst(%arg9 : memref<4096xf32, #tpu.memory_space<vmem>>)
      tpu.yield
    }) : () -> ()
    %add3A_60 = arith.constant 32768 : i32
    %add3A_61 = arith.addi %mul3A_57, %add3A_60 : i32
    "tpu.region"() ({
      %run_scoped3A = tpu.sem_alloc : memref<!tpu.dma_semaphore, #tpu.memory_space<semaphore_mem>>
      %dma_start3A = tpu.memref_slice %arg3[%add3A_61] : memref<393216xf32, #tpu.memory_space<hbm>> -> memref<4096xf32, #tpu.memory_space<hbm>>
      %dma_start3A_87 = tpu.memref_slice %arg3[%add3A_61] : memref<393216xf32, #tpu.memory_space<hbm>> -> memref<4096xf32, #tpu.memory_space<hbm>>
      tpu.enqueue_dma source(%dma_start3A_87 : memref<4096xf32, #tpu.memory_space<hbm>>) target(%arg10 : memref<4096xf32, #tpu.memory_space<vmem>>) target_semaphore(%run_scoped3A : memref<!tpu.dma_semaphore, #tpu.memory_space<semaphore_mem>>)
      %dma_wait3A = tpu.memref_slice %arg3[%add3A_61] : memref<393216xf32, #tpu.memory_space<hbm>> -> memref<4096xf32, #tpu.memory_space<hbm>>
      %dma_wait3A_88 = tpu.memref_slice %arg3[%add3A_61] : memref<393216xf32, #tpu.memory_space<hbm>> -> memref<4096xf32, #tpu.memory_space<hbm>>
      tpu.wait_dma2 semaphore(%run_scoped3A : memref<!tpu.dma_semaphore, #tpu.memory_space<semaphore_mem>>) src(%dma_wait3A_88 : memref<4096xf32, #tpu.memory_space<hbm>>) dst(%arg10 : memref<4096xf32, #tpu.memory_space<vmem>>)
      tpu.yield
    }) : () -> ()
    %add3A_62 = arith.constant 65536 : i32
    %add3A_63 = arith.addi %mul3A_57, %add3A_62 : i32
    "tpu.region"() ({
      %run_scoped3A = tpu.sem_alloc : memref<!tpu.dma_semaphore, #tpu.memory_space<semaphore_mem>>
      %dma_start3A = tpu.memref_slice %arg3[%add3A_63] : memref<393216xf32, #tpu.memory_space<hbm>> -> memref<4096xf32, #tpu.memory_space<hbm>>
      %dma_start3A_87 = tpu.memref_slice %arg3[%add3A_63] : memref<393216xf32, #tpu.memory_space<hbm>> -> memref<4096xf32, #tpu.memory_space<hbm>>
      tpu.enqueue_dma source(%dma_start3A_87 : memref<4096xf32, #tpu.memory_space<hbm>>) target(%arg11 : memref<4096xf32, #tpu.memory_space<vmem>>) target_semaphore(%run_scoped3A : memref<!tpu.dma_semaphore, #tpu.memory_space<semaphore_mem>>)
      %dma_wait3A = tpu.memref_slice %arg3[%add3A_63] : memref<393216xf32, #tpu.memory_space<hbm>> -> memref<4096xf32, #tpu.memory_space<hbm>>
      %dma_wait3A_88 = tpu.memref_slice %arg3[%add3A_63] : memref<393216xf32, #tpu.memory_space<hbm>> -> memref<4096xf32, #tpu.memory_space<hbm>>
      tpu.wait_dma2 semaphore(%run_scoped3A : memref<!tpu.dma_semaphore, #tpu.memory_space<semaphore_mem>>) src(%dma_wait3A_88 : memref<4096xf32, #tpu.memory_space<hbm>>) dst(%arg11 : memref<4096xf32, #tpu.memory_space<vmem>>)
      tpu.yield
    }) : () -> ()
    %scan3A = arith.constant 0 : i32
    %scan3A_64 = arith.constant 0 : i32
    %scan3A_65 = arith.constant 1024 : i32
    %scan3A_66 = arith.addi %scan3A_64, %scan3A_65 : i32
    %scan3A_67 = arith.constant 1 : i32
    %scan3A_68 = scf.for %scan3A_87 = %scan3A_64 to %scan3A_66 step %scan3A_67 iter_args(%scan3A_88 = %scan3A) -> (i32)  : i32 {
      %mul3A_89 = arith.constant 16 : i32
      %mul3A_90 = arith.muli %scan3A_87, %mul3A_89 : i32
      %get3A = arith.index_cast %mul3A_90 : i32 to index
      %get3A_91 = tpu.vector_load %arg5[%get3A] {strides = array<i32>} : memref<16384xf32, #tpu.memory_space<vmem>>, vector<16xf32>,
      %mul3A_92 = arith.constant 16 : i32
      %mul3A_93 = arith.muli %scan3A_87, %mul3A_92 : i32
      %get3A_94 = arith.index_cast %mul3A_93 : i32 to index
      %get3A_95 = tpu.vector_load %arg6[%get3A_94] {strides = array<i32>} : memref<16384xf32, #tpu.memory_space<vmem>>, vector<16xf32>,
      %mul3A_96 = arith.constant 16 : i32
      %mul3A_97 = arith.muli %scan3A_87, %mul3A_96 : i32
      %get3A_98 = arith.index_cast %mul3A_97 : i32 to index
      %get3A_99 = tpu.vector_load %arg7[%get3A_98] {strides = array<i32>} : memref<16384xf32, #tpu.memory_space<vmem>>, vector<16xf32>,
      %mul3A_100 = arith.mulf %get3A_91, %get3A_91 : vector<16xf32>
      %mul3A_101 = arith.mulf %get3A_95, %get3A_95 : vector<16xf32>
      %add3A_102 = arith.addf %mul3A_100, %mul3A_101 : vector<16xf32>
      %mul3A_103 = arith.mulf %get3A_99, %get3A_99 : vector<16xf32>
      %add3A_104 = arith.addf %add3A_102, %mul3A_103 : vector<16xf32>
      %mul3A_105 = arith.constant 16 : i32
      %mul3A_106 = arith.muli %scan3A_87, %mul3A_105 : i32
      %swap3A = arith.index_cast %mul3A_106 : i32 to index
      %swap3A_107 = tpu.vector_load %arg8[%swap3A] {strides = array<i32>} : memref<16384xf32, #tpu.memory_space<vmem>>, vector<16xf32>,
      tpu.vector_store %arg8[%swap3A], %add3A_104 {strides = array<i32>} : memref<16384xf32, #tpu.memory_space<vmem>>, vector<16xf32>,
      %bitcast3A = vector.bitcast %get3A_91 : vector<16xf32> to vector<16xi32>
      %shift_right_logical3A = arith.constant 16 : i32
      %shift_right_logical3A_108 = vector.broadcast %shift_right_logical3A : i32 to vector<16xi32>
      %shift_right_logical3A_109 = arith.shrui %bitcast3A, %shift_right_logical3A_108 : vector<16xi32>
      %and3A_110 = arith.constant 1 : i32
      %and3A_111 = vector.broadcast %and3A_110 : i32 to vector<16xi32>
      %and3A_112 = arith.andi %shift_right_logical3A_109, %and3A_111 : vector<16xi32>
      %add3A_113 = arith.constant 32767 : i32
      %add3A_114 = vector.broadcast %add3A_113 : i32 to vector<16xi32>
      %add3A_115 = arith.addi %bitcast3A, %add3A_114 : vector<16xi32>
      %add3A_116 = arith.addi %add3A_115, %and3A_112 : vector<16xi32>
      %and3A_117 = arith.constant -65536 : i32
      %and3A_118 = vector.broadcast %and3A_117 : i32 to vector<16xi32>
      %and3A_119 = arith.andi %add3A_116, %and3A_118 : vector<16xi32>
      %bitcast3A_120 = vector.bitcast %and3A_119 : vector<16xi32> to vector<16xf32>
      %mul3A_121 = arith.constant 16 : i32
      %mul3A_122 = arith.muli %scan3A_87, %mul3A_121 : i32
      %swap3A_123 = arith.index_cast %mul3A_122 : i32 to index
      %swap3A_124 = tpu.vector_load %arg5[%swap3A_123] {strides = array<i32>} : memref<16384xf32, #tpu.memory_space<vmem>>, vector<16xf32>,
      tpu.vector_store %arg5[%swap3A_123], %bitcast3A_120 {strides = array<i32>} : memref<16384xf32, #tpu.memory_space<vmem>>, vector<16xf32>,
      %bitcast3A_125 = vector.bitcast %get3A_95 : vector<16xf32> to vector<16xi32>
      %shift_right_logical3A_126 = arith.constant 16 : i32
      %shift_right_logical3A_127 = vector.broadcast %shift_right_logical3A_126 : i32 to vector<16xi32>
      %shift_right_logical3A_128 = arith.shrui %bitcast3A_125, %shift_right_logical3A_127 : vector<16xi32>
      %and3A_129 = arith.constant 1 : i32
      %and3A_130 = vector.broadcast %and3A_129 : i32 to vector<16xi32>
      %and3A_131 = arith.andi %shift_right_logical3A_128, %and3A_130 : vector<16xi32>
      %add3A_132 = arith.constant 32767 : i32
      %add3A_133 = vector.broadcast %add3A_132 : i32 to vector<16xi32>
      %add3A_134 = arith.addi %bitcast3A_125, %add3A_133 : vector<16xi32>
      %add3A_135 = arith.addi %add3A_134, %and3A_131 : vector<16xi32>
      %and3A_136 = arith.constant -65536 : i32
      %and3A_137 = vector.broadcast %and3A_136 : i32 to vector<16xi32>
      %and3A_138 = arith.andi %add3A_135, %and3A_137 : vector<16xi32>
      %bitcast3A_139 = vector.bitcast %and3A_138 : vector<16xi32> to vector<16xf32>
      %mul3A_140 = arith.constant 16 : i32
      %mul3A_141 = arith.muli %scan3A_87, %mul3A_140 : i32
      %swap3A_142 = arith.index_cast %mul3A_141 : i32 to index
      %swap3A_143 = tpu.vector_load %arg6[%swap3A_142] {strides = array<i32>} : memref<16384xf32, #tpu.memory_space<vmem>>, vector<16xf32>,
      tpu.vector_store %arg6[%swap3A_142], %bitcast3A_139 {strides = array<i32>} : memref<16384xf32, #tpu.memory_space<vmem>>, vector<16xf32>,
      %bitcast3A_144 = vector.bitcast %get3A_99 : vector<16xf32> to vector<16xi32>
      %shift_right_logical3A_145 = arith.constant 16 : i32
      %shift_right_logical3A_146 = vector.broadcast %shift_right_logical3A_145 : i32 to vector<16xi32>
      %shift_right_logical3A_147 = arith.shrui %bitcast3A_144, %shift_right_logical3A_146 : vector<16xi32>
      %and3A_148 = arith.constant 1 : i32
      %and3A_149 = vector.broadcast %and3A_148 : i32 to vector<16xi32>
      %and3A_150 = arith.andi %shift_right_logical3A_147, %and3A_149 : vector<16xi32>
      %add3A_151 = arith.constant 32767 : i32
      %add3A_152 = vector.broadcast %add3A_151 : i32 to vector<16xi32>
      %add3A_153 = arith.addi %bitcast3A_144, %add3A_152 : vector<16xi32>
      %add3A_154 = arith.addi %add3A_153, %and3A_150 : vector<16xi32>
      %and3A_155 = arith.constant -65536 : i32
      %and3A_156 = vector.broadcast %and3A_155 : i32 to vector<16xi32>
      %and3A_157 = arith.andi %add3A_154, %and3A_156 : vector<16xi32>
      %bitcast3A_158 = vector.bitcast %and3A_157 : vector<16xi32> to vector<16xf32>
      %mul3A_159 = arith.constant 16 : i32
      %mul3A_160 = arith.muli %scan3A_87, %mul3A_159 : i32
      %swap3A_161 = arith.index_cast %mul3A_160 : i32 to index
      %swap3A_162 = tpu.vector_load %arg7[%swap3A_161] {strides = array<i32>} : memref<16384xf32, #tpu.memory_space<vmem>>, vector<16xf32>,
      tpu.vector_store %arg7[%swap3A_161], %bitcast3A_158 {strides = array<i32>} : memref<16384xf32, #tpu.memory_space<vmem>>, vector<16xf32>,
      %scan3A_163 = arith.constant 0 : i32
      scf.yield %scan3A_163 : i32
    }
    %scan3A_69 = arith.constant 1024 : i32
    %scan3A_70 = arith.constant 0 : i32
    %scan3A_71 = arith.constant 0 : i32
    %scan3A_72 = arith.constant 256 : i32
    %scan3A_73 = arith.addi %scan3A_71, %scan3A_72 : i32
    %scan3A_74 = arith.constant 1 : i32
    %scan3A_75 = scf.for %scan3A_87 = %scan3A_71 to %scan3A_73 step %scan3A_74 iter_args(%scan3A_88 = %scan3A_70) -> (i32)  : i32 {
      %mul3A_89 = arith.constant 16 : i32
      %mul3A_90 = arith.muli %scan3A_87, %mul3A_89 : i32
      %get3A = arith.index_cast %mul3A_90 : i32 to index
      %get3A_91 = tpu.vector_load %arg9[%get3A] {strides = array<i32>} : memref<4096xf32, #tpu.memory_space<vmem>>, vector<16xf32>,
      %mul3A_92 = arith.constant 16 : i32
      %mul3A_93 = arith.muli %scan3A_87, %mul3A_92 : i32
      %get3A_94 = arith.index_cast %mul3A_93 : i32 to index
      %get3A_95 = tpu.vector_load %arg10[%get3A_94] {strides = array<i32>} : memref<4096xf32, #tpu.memory_space<vmem>>, vector<16xf32>,
      %mul3A_96 = arith.constant 16 : i32
      %mul3A_97 = arith.muli %scan3A_87, %mul3A_96 : i32
      %get3A_98 = arith.index_cast %mul3A_97 : i32 to index
      %get3A_99 = tpu.vector_load %arg11[%get3A_98] {strides = array<i32>} : memref<4096xf32, #tpu.memory_space<vmem>>, vector<16xf32>,
      %mul3A_100 = arith.mulf %get3A_91, %get3A_91 : vector<16xf32>
      %mul3A_101 = arith.mulf %get3A_95, %get3A_95 : vector<16xf32>
      %add3A_102 = arith.addf %mul3A_100, %mul3A_101 : vector<16xf32>
      %mul3A_103 = arith.mulf %get3A_99, %get3A_99 : vector<16xf32>
      %add3A_104 = arith.addf %add3A_102, %mul3A_103 : vector<16xf32>
      %mul3A_105 = arith.constant 16 : i32
      %mul3A_106 = arith.muli %scan3A_87, %mul3A_105 : i32
      %swap3A = arith.index_cast %mul3A_106 : i32 to index
      %swap3A_107 = tpu.vector_load %arg12[%swap3A] {strides = array<i32>} : memref<4096xf32, #tpu.memory_space<vmem>>, vector<16xf32>,
      tpu.vector_store %arg12[%swap3A], %add3A_104 {strides = array<i32>} : memref<4096xf32, #tpu.memory_space<vmem>>, vector<16xf32>,
      %bitcast3A = vector.bitcast %get3A_91 : vector<16xf32> to vector<16xi32>
      %shift_right_logical3A = arith.constant 16 : i32
      %shift_right_logical3A_108 = vector.broadcast %shift_right_logical3A : i32 to vector<16xi32>
      %shift_right_logical3A_109 = arith.shrui %bitcast3A, %shift_right_logical3A_108 : vector<16xi32>
      %and3A_110 = arith.constant 1 : i32
      %and3A_111 = vector.broadcast %and3A_110 : i32 to vector<16xi32>
      %and3A_112 = arith.andi %shift_right_logical3A_109, %and3A_111 : vector<16xi32>
      %add3A_113 = arith.constant 32767 : i32
      %add3A_114 = vector.broadcast %add3A_113 : i32 to vector<16xi32>
      %add3A_115 = arith.addi %bitcast3A, %add3A_114 : vector<16xi32>
      %add3A_116 = arith.addi %add3A_115, %and3A_112 : vector<16xi32>
      %and3A_117 = arith.constant -65536 : i32
      %and3A_118 = vector.broadcast %and3A_117 : i32 to vector<16xi32>
      %and3A_119 = arith.andi %add3A_116, %and3A_118 : vector<16xi32>
      %bitcast3A_120 = vector.bitcast %and3A_119 : vector<16xi32> to vector<16xf32>
      %mul3A_121 = arith.constant 16 : i32
      %mul3A_122 = arith.muli %scan3A_87, %mul3A_121 : i32
      %swap3A_123 = arith.index_cast %mul3A_122 : i32 to index
      %swap3A_124 = tpu.vector_load %arg9[%swap3A_123] {strides = array<i32>} : memref<4096xf32, #tpu.memory_space<vmem>>, vector<16xf32>,
      tpu.vector_store %arg9[%swap3A_123], %bitcast3A_120 {strides = array<i32>} : memref<4096xf32, #tpu.memory_space<vmem>>, vector<16xf32>,
      %bitcast3A_125 = vector.bitcast %get3A_95 : vector<16xf32> to vector<16xi32>
      %shift_right_logical3A_126 = arith.constant 16 : i32
      %shift_right_logical3A_127 = vector.broadcast %shift_right_logical3A_126 : i32 to vector<16xi32>
      %shift_right_logical3A_128 = arith.shrui %bitcast3A_125, %shift_right_logical3A_127 : vector<16xi32>
      %and3A_129 = arith.constant 1 : i32
      %and3A_130 = vector.broadcast %and3A_129 : i32 to vector<16xi32>
      %and3A_131 = arith.andi %shift_right_logical3A_128, %and3A_130 : vector<16xi32>
      %add3A_132 = arith.constant 32767 : i32
      %add3A_133 = vector.broadcast %add3A_132 : i32 to vector<16xi32>
      %add3A_134 = arith.addi %bitcast3A_125, %add3A_133 : vector<16xi32>
      %add3A_135 = arith.addi %add3A_134, %and3A_131 : vector<16xi32>
      %and3A_136 = arith.constant -65536 : i32
      %and3A_137 = vector.broadcast %and3A_136 : i32 to vector<16xi32>
      %and3A_138 = arith.andi %add3A_135, %and3A_137 : vector<16xi32>
      %bitcast3A_139 = vector.bitcast %and3A_138 : vector<16xi32> to vector<16xf32>
      %mul3A_140 = arith.constant 16 : i32
      %mul3A_141 = arith.muli %scan3A_87, %mul3A_140 : i32
      %swap3A_142 = arith.index_cast %mul3A_141 : i32 to index
      %swap3A_143 = tpu.vector_load %arg10[%swap3A_142] {strides = array<i32>} : memref<4096xf32, #tpu.memory_space<vmem>>, vector<16xf32>,
      tpu.vector_store %arg10[%swap3A_142], %bitcast3A_139 {strides = array<i32>} : memref<4096xf32, #tpu.memory_space<vmem>>, vector<16xf32>,
      %bitcast3A_144 = vector.bitcast %get3A_99 : vector<16xf32> to vector<16xi32>
      %shift_right_logical3A_145 = arith.constant 16 : i32
      %shift_right_logical3A_146 = vector.broadcast %shift_right_logical3A_145 : i32 to vector<16xi32>
      %shift_right_logical3A_147 = arith.shrui %bitcast3A_144, %shift_right_logical3A_146 : vector<16xi32>
      %and3A_148 = arith.constant 1 : i32
      %and3A_149 = vector.broadcast %and3A_148 : i32 to vector<16xi32>
      %and3A_150 = arith.andi %shift_right_logical3A_147, %and3A_149 : vector<16xi32>
      %add3A_151 = arith.constant 32767 : i32
      %add3A_152 = vector.broadcast %add3A_151 : i32 to vector<16xi32>
      %add3A_153 = arith.addi %bitcast3A_144, %add3A_152 : vector<16xi32>
      %add3A_154 = arith.addi %add3A_153, %and3A_150 : vector<16xi32>
      %and3A_155 = arith.constant -65536 : i32
      %and3A_156 = vector.broadcast %and3A_155 : i32 to vector<16xi32>
      %and3A_157 = arith.andi %add3A_154, %and3A_156 : vector<16xi32>
      %bitcast3A_158 = vector.bitcast %and3A_157 : vector<16xi32> to vector<16xf32>
      %mul3A_159 = arith.constant 16 : i32
      %mul3A_160 = arith.muli %scan3A_87, %mul3A_159 : i32
      %swap3A_161 = arith.index_cast %mul3A_160 : i32 to index
      %swap3A_162 = tpu.vector_load %arg11[%swap3A_161] {strides = array<i32>} : memref<4096xf32, #tpu.memory_space<vmem>>, vector<16xf32>,
      tpu.vector_store %arg11[%swap3A_161], %bitcast3A_158 {strides = array<i32>} : memref<4096xf32, #tpu.memory_space<vmem>>, vector<16xf32>,
      %scan3A_163 = arith.constant 0 : i32
      scf.yield %scan3A_163 : i32
    }
    %scan3A_76 = arith.constant 256 : i32
    %scan3A_77 = arith.constant 0x7F800000 : f32
    %scan3A_78 = arith.constant 0 : i32
    %scan3A_79 = arith.constant 0 : i32
    %scan3A_80 = arith.constant 256 : i32
    %scan3A_81 = arith.addi %scan3A_79, %scan3A_80 : i32
    %scan3A_82 = arith.constant 1 : i32
    %scan3A_83 = scf.for %scan3A_87 = %scan3A_79 to %scan3A_81 step %scan3A_82 iter_args(%scan3A_88 = %scan3A_78) -> (i32)  : i32 {
      %mul3A_89 = arith.constant 16 : i32
      %mul3A_90 = arith.muli %scan3A_87, %mul3A_89 : i32
      %get3A = arith.index_cast %mul3A_90 : i32 to index
      %get3A_91 = tpu.vector_load %arg9[%get3A] {strides = array<i32>} : memref<4096xf32, #tpu.memory_space<vmem>>, vector<16xf32>,
      %mul3A_92 = arith.constant 16 : i32
      %mul3A_93 = arith.muli %scan3A_87, %mul3A_92 : i32
      %get3A_94 = arith.index_cast %mul3A_93 : i32 to index
      %get3A_95 = tpu.vector_load %arg10[%get3A_94] {strides = array<i32>} : memref<4096xf32, #tpu.memory_space<vmem>>, vector<16xf32>,
      %mul3A_96 = arith.constant 16 : i32
      %mul3A_97 = arith.muli %scan3A_87, %mul3A_96 : i32
      %get3A_98 = arith.index_cast %mul3A_97 : i32 to index
      %get3A_99 = tpu.vector_load %arg11[%get3A_98] {strides = array<i32>} : memref<4096xf32, #tpu.memory_space<vmem>>, vector<16xf32>,
      %mul3A_100 = arith.constant -2.000000e+00 : f32
      %mul3A_101 = vector.broadcast %mul3A_100 : f32 to vector<16xf32>
      %mul3A_102 = arith.mulf %mul3A_101, %get3A_91 : vector<16xf32>
      %mul3A_103 = arith.constant -2.000000e+00 : f32
      %mul3A_104 = vector.broadcast %mul3A_103 : f32 to vector<16xf32>
      %mul3A_105 = arith.mulf %mul3A_104, %get3A_95 : vector<16xf32>
      %mul3A_106 = arith.constant -2.000000e+00 : f32
      %mul3A_107 = vector.broadcast %mul3A_106 : f32 to vector<16xf32>
      %mul3A_108 = arith.mulf %mul3A_107, %get3A_99 : vector<16xf32>
      %mul3A_109 = arith.constant 16 : i32
      %mul3A_110 = arith.muli %scan3A_87, %mul3A_109 : i32
      %get3A_111 = arith.index_cast %mul3A_110 : i32 to index
      %get3A_112 = tpu.vector_load %arg12[%get3A_111] {strides = array<i32>} : memref<4096xf32, #tpu.memory_space<vmem>>, vector<16xf32>,
      %broadcast_in_dim3A = vector.broadcast %scan3A_77 : f32 to vector<16xf32>
      %broadcast_in_dim3A_113 = arith.constant 0 : i32
      %broadcast_in_dim3A_114 = vector.broadcast %broadcast_in_dim3A_113 : i32 to vector<16xi32>
      %broadcast_in_dim3A_115 = vector.broadcast %scan3A_77 : f32 to vector<16xf32>
      %scan3A_116 = arith.constant 0 : i32
      %scan3A_117 = arith.constant 1024 : i32
      %scan3A_118 = arith.addi %scan3A_116, %scan3A_117 : i32
      %scan3A_119 = arith.constant 1 : i32
      %scan3A_120:3 = scf.for %scan3A_126 = %scan3A_116 to %scan3A_118 step %scan3A_119 iter_args(%scan3A_127 = %broadcast_in_dim3A, %scan3A_128 = %broadcast_in_dim3A_114, %scan3A_129 = %broadcast_in_dim3A_115) -> (vector<16xf32>, vector<16xi32>, vector<16xf32>)  : i32 {
        %mul3A_130 = arith.constant 16 : i32
        %mul3A_131 = arith.muli %scan3A_126, %mul3A_130 : i32
        %get3A_132 = arith.index_cast %mul3A_131 : i32 to index
        %get3A_133 = tpu.vector_load %arg5[%get3A_132] {strides = array<i32>} : memref<16384xf32, #tpu.memory_space<vmem>>, vector<16xf32>,
        %mul3A_134 = arith.constant 16 : i32
        %mul3A_135 = arith.muli %scan3A_126, %mul3A_134 : i32
        %get3A_136 = arith.index_cast %mul3A_135 : i32 to index
        %get3A_137 = tpu.vector_load %arg6[%get3A_136] {strides = array<i32>} : memref<16384xf32, #tpu.memory_space<vmem>>, vector<16xf32>,
        %mul3A_138 = arith.constant 16 : i32
        %mul3A_139 = arith.muli %scan3A_126, %mul3A_138 : i32
        %get3A_140 = arith.index_cast %mul3A_139 : i32 to index
        %get3A_141 = tpu.vector_load %arg7[%get3A_140] {strides = array<i32>} : memref<16384xf32, #tpu.memory_space<vmem>>, vector<16xf32>,
        %mul3A_142 = arith.constant 16 : i32
        %mul3A_143 = arith.muli %scan3A_126, %mul3A_142 : i32
        %get3A_144 = arith.index_cast %mul3A_143 : i32 to index
        %get3A_145 = tpu.vector_load %arg8[%get3A_144] {strides = array<i32>} : memref<16384xf32, #tpu.memory_space<vmem>>, vector<16xf32>,
        %mul3A_146 = arith.mulf %mul3A_102, %get3A_133 : vector<16xf32>
        %add3A_147 = arith.addf %get3A_145, %mul3A_146 : vector<16xf32>
        %mul3A_148 = arith.mulf %mul3A_105, %get3A_137 : vector<16xf32>
        %add3A_149 = arith.addf %add3A_147, %mul3A_148 : vector<16xf32>
        %mul3A_150 = arith.mulf %mul3A_108, %get3A_141 : vector<16xf32>
        %add3A_151 = arith.addf %add3A_149, %mul3A_150 : vector<16xf32>
        %lt3A_152 = arith.cmpf olt, %add3A_151, %scan3A_129 : vector<16xf32>
        %all_reduce_population_count3A = tpu.all_reduce %lt3A_152 {dim = 0 : i64, kind = #tpu.reduction_kind<sum>} : vector<16xi1> -> vector<16xi32>
        %slice3A = vector.extract_strided_slice %all_reduce_population_count3A {offsets = [0], sizes = [1], strides = [1]} : vector<16xi32> to vector<1xi32>
        %squeeze3A = vector.extract %slice3A[0] : i32 from vector<1xi32>
        %gt3A = arith.constant 0 : i32
        %gt3A_153 = arith.cmpi sgt, %squeeze3A, %gt3A : i32
        %convert_element_type3A = arith.extui %gt3A_153 : i1 to i32
        %cond3A = arith.constant 0 : i32
        %cond3A_154 = arith.cmpi ne, %convert_element_type3A, %cond3A : i32
        %cond3A_155:3 = scf.if %cond3A_154 -> (vector<16xf32>, vector<16xi32>, vector<16xf32>) {
          %mul3A_156 = arith.mulf %get3A_91, %get3A_133 : vector<16xf32>
          %mul3A_157 = arith.mulf %get3A_95, %get3A_137 : vector<16xf32>
          %add3A_158 = arith.addf %mul3A_156, %mul3A_157 : vector<16xf32>
          %mul3A_159 = arith.mulf %get3A_99, %get3A_141 : vector<16xf32>
          %add3A_160 = arith.addf %add3A_158, %mul3A_159 : vector<16xf32>
          %add3A_161 = arith.addf %get3A_112, %get3A_145 : vector<16xf32>
          %mul3A_162 = arith.constant 2.000000e+00 : f32
          %mul3A_163 = vector.broadcast %mul3A_162 : f32 to vector<16xf32>
          %mul3A_164 = arith.mulf %mul3A_163, %add3A_160 : vector<16xf32>
          %sub3A_165 = arith.subf %add3A_161, %mul3A_164 : vector<16xf32>
          %max3A = arith.constant 0.000000e+00 : f32
          %max3A_166 = vector.broadcast %max3A : f32 to vector<16xf32>
          %max3A_167 = arith.maximumf %sub3A_165, %max3A_166 : vector<16xf32>
          %mul3A_168 = arith.constant 16 : i32
          %mul3A_169 = arith.muli %scan3A_126, %mul3A_168 : i32
          %iota3A = tpu.iota {dimensions = array<i32: 0>} : vector<16xi32>
          %add3A_170 = vector.broadcast %mul3A_169 : i32 to vector<16xi32>
          %add3A_171 = arith.addi %add3A_170, %iota3A : vector<16xi32>
          %masked_sort3A = arith.constant dense<true> : vector<16xi1>
          %masked_sort3A_172, %masked_sort3A_173, %masked_sort3A_174 = tpu.sort %max3A_167, %add3A_171 masked %masked_sort3A {descending = true} : (vector<16xf32>, vector<16xi32>, vector<16xi1>) -> (vector<16xi1>, vector<16xf32>, vector<16xi32>)
          %le3A = arith.cmpf ole, %scan3A_127, %masked_sort3A_173 : vector<16xf32>
          %select_n3A_175 = arith.select %le3A, %scan3A_127, %masked_sort3A_173 : vector<16xi1>, vector<16xf32>
          %select_n3A_176 = arith.select %le3A, %scan3A_128, %masked_sort3A_174 : vector<16xi1>, vector<16xi32>
          %masked_sort3A_177 = arith.constant dense<true> : vector<16xi1>
          %masked_sort3A_178, %masked_sort3A_179, %masked_sort3A_180 = tpu.sort %select_n3A_175, %select_n3A_176 masked %masked_sort3A_177 : (vector<16xf32>, vector<16xi32>, vector<16xi1>) -> (vector<16xi1>, vector<16xf32>, vector<16xi32>)
          %slice3A_181 = vector.extract_strided_slice %masked_sort3A_179 {offsets = [15], sizes = [1], strides = [1]} : vector<16xf32> to vector<1xf32>
          %squeeze3A_182 = vector.extract %slice3A_181[0] : f32 from vector<1xf32>
          %sub3A_183 = vector.broadcast %squeeze3A_182 : f32 to vector<16xf32>
          %sub3A_184 = arith.subf %sub3A_183, %get3A_112 : vector<16xf32>
          %add3A_185 = arith.constant 9.99999974E-5 : f32
          %add3A_186 = vector.broadcast %add3A_185 : f32 to vector<16xf32>
          %add3A_187 = arith.addf %sub3A_184, %add3A_186 : vector<16xf32>
          scf.yield %masked_sort3A_179, %masked_sort3A_180, %add3A_187 : vector<16xf32>, vector<16xi32>, vector<16xf32>
        } else {
          scf.yield %scan3A_127, %scan3A_128, %scan3A_129 : vector<16xf32>, vector<16xi32>, vector<16xf32>
        }
        scf.yield %cond3A_155#0, %cond3A_155#1, %cond3A_155#2 : vector<16xf32>, vector<16xi32>, vector<16xf32>
      }
      %scan3A_121 = arith.constant 1024 : i32
      %mul3A_122 = arith.constant 16 : i32
      %mul3A_123 = arith.muli %scan3A_87, %mul3A_122 : i32
      %swap3A = arith.index_cast %mul3A_123 : i32 to index
      %swap3A_124 = tpu.vector_load %arg13[%swap3A] {strides = array<i32>} : memref<4096xi32, #tpu.memory_space<vmem>>, vector<16xi32>,
      tpu.vector_store %arg13[%swap3A], %scan3A_120#1 {strides = array<i32>} : memref<4096xi32, #tpu.memory_space<vmem>>, vector<16xi32>,
      %scan3A_125 = arith.constant 0 : i32
      scf.yield %scan3A_125 : i32
    }
    %scan3A_84 = arith.constant 256 : i32
    %mul3A_85 = arith.constant 4096 : i32
    %mul3A_86 = arith.muli %add3A, %mul3A_85 : i32
    "tpu.region"() ({
      %run_scoped3A = tpu.sem_alloc : memref<!tpu.dma_semaphore, #tpu.memory_space<semaphore_mem>>
      %dma_start3A = tpu.memref_slice %arg4[%mul3A_86] : memref<131072xi32, #tpu.memory_space<hbm>> -> memref<4096xi32, #tpu.memory_space<hbm>>
      %dma_start3A_87 = tpu.memref_slice %arg4[%mul3A_86] : memref<131072xi32, #tpu.memory_space<hbm>> -> memref<4096xi32, #tpu.memory_space<hbm>>
      tpu.enqueue_dma source(%arg13 : memref<4096xi32, #tpu.memory_space<vmem>>) target(%dma_start3A_87 : memref<4096xi32, #tpu.memory_space<hbm>>) target_semaphore(%run_scoped3A : memref<!tpu.dma_semaphore, #tpu.memory_space<semaphore_mem>>)
      %dma_wait3A = tpu.memref_slice %arg4[%mul3A_86] : memref<131072xi32, #tpu.memory_space<hbm>> -> memref<4096xi32, #tpu.memory_space<hbm>>
      %dma_wait3A_88 = tpu.memref_slice %arg4[%mul3A_86] : memref<131072xi32, #tpu.memory_space<hbm>> -> memref<4096xi32, #tpu.memory_space<hbm>>
      tpu.wait_dma2 semaphore(%run_scoped3A : memref<!tpu.dma_semaphore, #tpu.memory_space<semaphore_mem>>) src(%arg13 : memref<4096xi32, #tpu.memory_space<vmem>>) dst(%dma_wait3A_88 : memref<4096xi32, #tpu.memory_space<hbm>>)
      tpu.yield
    }) : () -> ()
    return
  }
}

</mosaic_0001>

<sc_bundles>
// kernel: kernel.3.cloned.1.call-start
scs
__scs_entry_jumppad:
0x0: {  	(pc) =	sbr.rel $0x88, $3  }
0x1: {  	(tag) =	ssettag $0x0;
	lr =	simm.s32 $0x1  }
0x2: {  	[smem:$0x3F9F] =	sst lr;
	_ =	strace $0xD0000000  }
0x3: {  	_ = 	snop  }
0x4: {  	_ = 	snop  }
0x5: {  	_ = 	snop  }
0x6: {  	_ = 	snop  }
0x7: {  	_ = 	snop  }
__scs_overlays_trampoline_lowered:
0x8: {  	[smem:$0x3FAE] =	sst s0  }
0x9: {  	[smem:$0x3FAF] =	sst s1  }
0xa: {  	[smem:$0x3FB0] =	sst s2  }
0xb: {  	[smem:$0x3FB1] =	sst s3  }
0xc: {  	[smem:$0x3FB2] =	sst s4  }
0xd: {  	[smem:$0x3FB3] =	sst s5  }
0xe: {  	[smem:$0x3FB4] =	sst s6  }
0xf: {  	[smem:$0x3FB5] =	sst s7  }
0x10: {  	[smem:$0x3FB6] =	sst s8  }
0x11: {  	[smem:$0x3FB7] =	sst s9;
	s0 =	simm.s32 @!p0 $0x0  }
0x12: {  	s1 =	sld [smem:$0x3F9D];
	s0 =	simm.s32 @p0 $0x1  }
0x13: {  	[smem:$0x3FB8] =	sst s0;
	s0 =	simm.s32 @!p1 $0x0  }
0x14: {  	s2 =	sld [smem:$0x3F9C];
	s0 =	simm.s32 @p1 $0x1  }
0x15: {  	[smem:$0x3FB9] =	sst s0;
	s0 =	simm.s32 @!p2 $0x0  }
0x16: {  	s3 =	sld [smem:$0x3FDB];
	s0 =	simm.s32 @p2 $0x1  }
0x17: {  	s4 =	simm.s32 $0x1BF5;
	[smem:$0x3FBB] =	sst s0  }
0x18: {  	s0 =	sld [smem:$0x3F9E];
	_ =	swait.ge [sflag:s4], $0x0  }
0x19: {  	s7 =	sld [smem:$0x3F9F]  }
0x1a: {  	s8 =	sadd.s32 $0xFFFFE003, lr  }
0x1b: {  	s9 =	sadd.s32 $0xFFFFFEF7, lr;
	s5 =	simm.s32 $0xFFFFFFFF;
	p2 =	slt.u32 s8, $0xFFFFF086  }
0x1c: {  	p1 =	slt.u32 s9, $0xF7A;
	s5 =	simm.s32 @!p2 $0x0  }
0x1d: {  	s5 =	simm.s32 @p1 $0x1;
	p0 =	seq.s32 s7, s2  }
0x1e: {  	s7 =	smul.u32 @!p0 $0xF7A, s2;
	p2 =	seq.s32 @!p0 s5, $0x0  }
0x1f: {  	s9 =	smul.u32 $0xF7A, s1;
	s8 =	simm.s32 @!p0 $0x1BF5;
	p2 =	por !p2, p0  }
0x20: {  	[sflag:s8] =	ssyncset.s32 @!p0 $0xFFFFF086;
	s6 =	sadd.s32 @!p0 s3, s7;
	s7 =	simm.s32 @!p0 $0x108  }
0x21: {  	s3 =	sadd.s32 s3, s9;
	s6 =	sadd.s32 @!p0 $0x88, s6;
	s7 =	simm.s32 @p2 $0x1082  }
0x22: {  	[simem:s7], [sflag:s8] =	dma.local @!p0 [hbm:s6], $0xF7A  }
0x23: {  	s9 =	sor.u32 $0xD0000000, s2;
	s6 =	simm.s32 $0x108;
	_ =	swait.ge @!p0 [sflag:s8], $0x0  }
0x24: {  	s3 =	sadd.s32 $0x88, s3;
	s6 =	simm.s32 @!p1 $0x1082;
	[sflag:s4] =	ssyncset.s32 $0xFFFFF086  }
0x25: {  	[simem:s6], [sflag:s4] =	dma.local [hbm:s3], $0xF7A  }
0x26: {  	[smem:$0x3F9F] =	sst s1;
	(tag) =	ssettag s2;
	_ =	strace s9  }
0x27: {  	s1 =	sld [smem:$0x3FAF]  }
0x28: {  	s2 =	sld [smem:$0x3FB0]  }
0x29: {  	s4 =	sld [smem:$0x3FB2]  }
0x2a: {  	p0 =	seq.s32 s5, $0x0;
	s5 =	sld [smem:$0x3FB3]  }
0x2b: {  	s6 =	sld [smem:$0x3FB4]  }
0x2c: {  	s7 =	sld [smem:$0x3FB5]  }
0x2d: {  	s3 =	simm.s32 $0x108;
	s8 =	sld [smem:$0x3FB6]  }
0x2e: {  	s3 =	simm.s32 @!p0 $0x1082;
	s9 =	sld [smem:$0x3FB7]  }
0x2f: {  	lr =	sadd.s32 s0, s3;
	s0 =	sld [smem:$0x3FAE]  }
0x30: {  	s3 =	sld [smem:$0x3FB1]  }
0x31: {  	[smem:$0x3FBA] =	sst s10  }
0x32: {  	s10 =	sld [smem:$0x3FB8];
	_ =	sdelay $0x3  }
0x33: {  	p0 =	seq.s32 s10, $0x1;
	s10 =	sld [smem:$0x3FBA];
	_ =	sdelay $0x3  }
0x34: {  	[smem:$0x3FBA] =	sst s10  }
0x35: {  	s10 =	sld [smem:$0x3FB9];
	_ =	sdelay $0x3  }
0x36: {  	p1 =	seq.s32 s10, $0x1;
	s10 =	sld [smem:$0x3FBA];
	_ =	sdelay $0x3  }
0x37: {  	[smem:$0x3FBA] =	sst s10  }
0x38: {  	s10 =	sld [smem:$0x3FBB]  }
0x39: {  	_ = 	snop;
	(pc) =	sbr.ind lr, $3  }
0x3a: {  	_ = 	snop  }
0x3b: {  	_ = 	snop  }
0x3c: {  	p2 =	seq.s32 s10, $0x1;
	s10 =	sld [smem:$0x3FBA]  }
0x3d: {  	_ =	shalt  }
0x3e: {  	_ =	shalt  }
0x3f: {  	_ =	shalt  }
0x40: {  	_ =	shalt  }
0x41: {  	_ =	shalt  }
0x42: {  	_ =	shalt  }
0x43: {  	_ =	shalt  }
0x44: {  	_ =	shalt  }
0x45: {  	_ =	shalt  }
0x46: {  	_ =	shalt  }
0x47: {  	_ =	shalt  }
0x48: {  	_ =	shalt  }
0x49: {  	_ =	shalt  }
0x4a: {  	_ =	shalt  }
0x4b: {  	_ =	shalt  }
0x4c: {  	_ =	shalt  }
0x4d: {  	_ =	shalt  }
0x4e: {  	_ =	shalt  }
0x4f: {  	_ =	shalt  }
0x50: {  	_ =	shalt  }
0x51: {  	_ =	shalt  }
0x52: {  	_ =	shalt  }
0x53: {  	_ =	shalt  }
0x54: {  	_ =	shalt  }
0x55: {  	_ =	shalt  }
0x56: {  	_ =	shalt  }
0x57: {  	_ =	shalt  }
0x58: {  	_ =	shalt  }
0x59: {  	_ =	shalt  }
0x5a: {  	_ =	shalt  }
0x5b: {  	_ =	shalt  }
0x5c: {  	_ =	shalt  }
0x5d: {  	_ =	shalt  }
0x5e: {  	_ =	shalt  }
0x5f: {  	_ =	shalt  }
0x60: {  	_ =	shalt  }
0x61: {  	_ =	shalt  }
0x62: {  	_ =	shalt  }
0x63: {  	_ =	shalt  }
0x64: {  	_ =	shalt  }
0x65: {  	_ =	shalt  }
0x66: {  	_ =	shalt  }
0x67: {  	_ =	shalt  }
0x68: {  	_ =	shalt  }
0x69: {  	_ =	shalt  }
0x6a: {  	_ =	shalt  }
0x6b: {  	_ =	shalt  }
0x6c: {  	_ =	shalt  }
0x6d: {  	_ =	shalt  }
0x6e: {  	_ =	shalt  }
0x6f: {  	_ =	shalt  }
0x70: {  	_ =	shalt  }
0x71: {  	_ =	shalt  }
0x72: {  	_ =	shalt  }
0x73: {  	_ =	shalt  }
0x74: {  	_ =	shalt  }
0x75: {  	_ =	shalt  }
0x76: {  	_ =	shalt  }
0x77: {  	_ =	shalt  }
0x78: {  	_ =	shalt  }
0x79: {  	_ =	shalt  }
0x7a: {  	_ =	shalt  }
0x7b: {  	_ =	shalt  }
0x7c: {  	_ =	shalt  }
0x7d: {  	_ =	shalt  }
0x7e: {  	_ =	shalt  }
0x7f: {  	_ =	shalt  }
0x80: {  	_ =	shalt  }
0x81: {  	_ =	shalt  }
0x82: {  	_ =	shalt  }
0x83: {  	_ =	shalt  }
0x84: {  	_ =	shalt  }
0x85: {  	_ =	shalt  }
0x86: {  	_ =	shalt  }
0x87: {  	_ =	shalt  }
.Lfunc_end0:
.L_simem_size_0:
called_computation_lowered:
.L_overlay_start_0:
0x88: {  	s2 =	sld [smem:$0x3FD9]  }
0x89: {  	s3 =	sld [smem:$0x3FFE];
	_ =	sdelay $0x1  }
0x8a: {  	s1 =	srdreg.scid  }
0x8b: {  	s0 =	sand.u32 $0x1, s1  }
0x8c: {  	s17 =	sshll.u32 s0, $0xA;
	s2 =	sadd.s32 s3, s2  }
0x8d: {  	s2 =	sadd.s32 s2, s17  }
0x8e: {  	[smem:$0x3FC6] =	sst s2  }
0x8f: {  	_ = 	snop  }
0x90: {  	s2 =	sld [smem:$0x3FD0];
	(tm) =	ssettm $0x1  }
0x91: {  	s18 =	sld [smem:$0x3FFB];
	_ =	sdelay $0x3  }
0x92: {  	_ =	strace s18  }
0x93: {  	s3 =	sld [smem:$0x3FFC];
	_ =	sdelay $0x3  }
0x94: {  	_ =	strace s3  }
0x95: {  	s3 =	sld [smem:$0x3FFD];
	_ =	sdelay $0x3  }
0x96: {  	_ =	strace s3  }
0x97: {  	_ =	strace $0x8FFFFFFF  }
0x98: {  	s19 =	sld [smem:$0x3FDB];
	_ =	sdelay $0x1  }
0x99: {  	s4 =	simm.s32 $_scs_section_size  }
0x9a: {  	s5 =	simm.s32 $_size__tile_overlayer_lowered;
	s6 =	simm.s32 $_tile_overlayer_lowered  }
0x9b: {  	s22 =	simm.s32 $0x1BFF;
	s21 =	sshll.u32 s6, $0x1;
	s3 =	sadd.s32 s4, s19  }
0x9c: {  	s7 =	simm.s32 $0x0;
	s20 =	sshll.u32 s5, $0x1;
	s5 =	sadd.s32 s21, s3  }
0x9d: {  	[timem:s7], [sflag:s22] =	dma.local [hbm:s5], s20  }
0x9e: {  	_ =	swait.ge [sflag:s22], s20  }
0x9f: {  	s4 =	ssub.s32 $0x0, s20;
	[sflag:s22] =	ssyncset.done $0x0  }
0xa0: {  	[sflag:s22] =	ssyncadd.s32 s4;
	_ =	sdelay $0x1  }
0xa1: {  	s23 =	simm.s32 $0x1B8B  }
0xa2: {  	_ =	swait.ge [sflag:s23], $0x1  }
0xa3: {  	[sflag:s23] =	ssyncset.done $0x0  }
0xa4: {  	s25 =	simm.s32 $0x1B8E;
	s24 =	sld [smem:$0x3FFE];
	[sflag:s23] =	ssyncadd.s32 $0xFFFFFFFF  }
0xa5: {  	s26 =	simm.s32 $execute0_lowered;
	[smem:$0x3FD2] =	sst s25  }
0xa6: {  	s5 =	sshll.u32 s26, $0x1;
	_ =	strace $0x80000046;
	[dreg:$0x1] =	wrdreg $0xFFFFFFFF  }
0xa7: {  	s28 =	simm.s32 $_size_execute0_lowered;
	s3 =	sadd.s32 s3, s5;
	[dreg:$0x0] =	wrdreg $0x0  }
0xa8: {  	s5 =	sshll.u32 s28, $0x1;
	[dreg:$0x2] =	wrdreg s3  }
0xa9: {  	[dreg:$0x3] =	wrdreg s5  }
0xaa: {  	[dreg:$0x4] =	wrdreg $0xC0  }
0xab: {  	_ =	task [dreg:s7], $0x5FFFF  }
0xac: {  	[dreg:$0x1] =	wrdreg $0xFFFFFFFF  }
0xad: {  	[dreg:$0x0] =	wrdreg $0x60  }
0xae: {  	[dreg:$0x2] =	wrdreg s24  }
0xaf: {  	[dreg:$0x3] =	wrdreg s2  }
0xb0: {  	[dreg:$0x4] =	wrdreg $0x9  }
0xb1: {  	_ =	task.clear_ibuf [dreg:s7], $0x5FFFF;
	_ =	strace $0x90000046  }
0xb2: {  	s29 =	simm.s32 $0x9;
	_ =	strace $0x80000048  }
0xb3: {  	_ =	swait.ge [sflag:s29], $0x1  }
0xb4: {  	[sflag:s29] =	ssyncadd.s32 $0xFFFFFFFF  }
0xb5: {  	_ =	strace $0x90000048  }
0xb6: {  	_ =	sfence  }
0xb7: {  	s30 =	sld [smem:$0x0];
	_ =	sdelay $0x2  }
0xb8: {  	s31 =	sshll.u32 s1, $0xD;
	s1 =	sshrl.u32 s1, $0x2  }
0xb9: {  	s3 =	sand.u32 $0x4000, s31;
	s1 =	sadd.s32 s1, s30  }
0xba: {  	s0 =	sor.u32 s3, s0;
	s1 =	sshll.u32 s1, $0x11  }
0xbb: {  	s0 =	sor.u32 s1, s0  }
0xbc: {  	s0 =	sadd.s32 $0x8F2B, s0  }
0xbd: {  	[sflag:s0] =	ssyncadd.remote.s32 $0x1  }
0xbe: {  	_ =	sfence.sel $0xFFFF  }
0xbf: {  	[dreg:$0x0] =	wrdreg $0xFFFFFFFF;
	(pc) =	sbr.abs _section_cstart, $3  }
0xc0: {  	[dreg:$0x1] =	wrdreg $0xFFFFFFFF  }
0xc1: {  	_ =	task.clear_ibuf [dreg:s7], $0x2FFFF;
	_ =	strace $0x9FFFFFFF  }
0xc2: {  	(tm) =	ssettm $0x7FFFFFFF  }
0xc3: {  	_ =	shalt  }
tec
execute0_lowered:
.L_overlay_start_1:
0x0: {  	(tag) =	ssettag $0x1  }
0x1: {  	s1 =	srdreg.scid;
	s4 =	rddreg [dreg:$0x0]  }
0x2: {  	s0 =	stileid.u32;
	s9 =	rddreg [dreg:$0x1]  }
0x3: {  	s2 =	simm.s32 $0x0;
	s13 =	simm.s32 $0x8000;
	s14 =	simm.s32 $0x10000  }
0x4: {  	s15 =	simm.s32 $0x11000;
	s16 =	simm.s32 $0x12000;
	s17 =	simm.s32 $0x14000  }
0x5: {  	s18 =	simm.s32 $0x0;
	s3 =	sand.u32 $0x1, s1;
	s1 =	rddreg [dreg:$0x2]  }
0x6: {  	s26 =	sshll.u32 s0, $0x1;
	s5 =	sshrl.u32 s0, $0x2;
	[smem:$0x7FF] =	sst s2  }
0x7: {  	s10 =	sadd.s32 $0xC600, s4;
	s7 =	sor.u32 s3, s26;
	s8 =	smul.u32 $0x18000, s5  }
0x8: {  	s28 =	smul.u32 $0xC000, s5;
	_ =	strace $0x80000047;
	s3 =	ssub.s32 $0x2, s3  }
0x9: {  	s5 =	smul.u32 $0x1800, s5;
	s6 =	sshll.u32 s7, $0xC;
	s29 =	sshrl.u32 s3, $0x1  }
0xa: {  	s31 =	sshll.u32 s7, $0x9;
	s6 =	sand.u32 $0x7000, s6;
	s12 =	ssub.s32 s3, s29  }
0xb: {  	s3 =	sadd.s32 s10, s5;
	s6 =	sor.u32 s8, s6;
	s8 =	sshrl.u32 s28, $0x3  }
0xc: {  	s9 =	sadd.s32 s9, s31;
	s6 =	sshrl.u32 s6, $0x3;
	s30 =	sadd.s32 s10, s8  }
0xd: {  	s10 =	smax.u32 s12, $0x1;
	s12 =	simm.s32 $0x4000;
	s11 =	sadd.s32 s6, s4  }
0xe: {  	s4 =	sadd.s32 $0x800, s30;
	s5 =	sadd.s32 $0x1000, s30;
	s6 =	sadd.s32 $0x600, s11  }
0xf: {  	s7 =	sadd.s32 $0x1600, s11;
	s8 =	sadd.s32 $0x2600, s11;
	s11 =	simm.s32 $0x1  }
.LBB2_1:
0x10: {  	[tilespmem:s2], [sflag:$0x1] =	stream.linear.gather [hbm4b:s3+s2], $0x4000, $0x38;
	[tilespmem:$0x15000] =	vst v63  }
0x11: {  	_ =	swait.ge [sflag:s11], $0x4000  }
0x12: {  	[sflag:s11] =	ssyncset.done $0x0  }
0x13: {  	[sflag:s11] =	ssyncadd.s32 $0xFFFFC000  }
0x14: {  	[tilespmem:s12], [sflag:$0x1] =	stream.linear.gather [hbm4b:s4+s2], $0x4000, $0x38;
	[tilespmem:$0x15000] =	vst v63  }
0x15: {  	_ =	swait.ge [sflag:s11], $0x4000  }
0x16: {  	[sflag:s11] =	ssyncset.done $0x0  }
0x17: {  	[sflag:s11] =	ssyncadd.s32 $0xFFFFC000  }
0x18: {  	[tilespmem:s13], [sflag:$0x1] =	stream.linear.gather [hbm4b:s5+s2], $0x4000, $0x38;
	[tilespmem:$0x15000] =	vst v63  }
0x19: {  	_ =	swait.ge [sflag:s11], $0x4000  }
0x1a: {  	[sflag:s11] =	ssyncset.done $0x0  }
0x1b: {  	[sflag:s11] =	ssyncadd.s32 $0xFFFFC000  }
0x1c: {  	[tilespmem:s14], [sflag:$0x1] =	stream.linear.gather [hbm4b:s6+s2], $0x1000, $0x38;
	[tilespmem:$0x15000] =	vst v63  }
0x1d: {  	_ =	swait.ge [sflag:s11], $0x1000  }
0x1e: {  	[sflag:s11] =	ssyncset.done $0x0  }
0x1f: {  	[sflag:s11] =	ssyncadd.s32 $0xFFFFF000  }
0x20: {  	[tilespmem:s15], [sflag:$0x1] =	stream.linear.gather [hbm4b:s7+s2], $0x1000, $0x38;
	[tilespmem:$0x15000] =	vst v63  }
0x21: {  	_ =	swait.ge [sflag:s11], $0x1000  }
0x22: {  	[sflag:s11] =	ssyncset.done $0x0  }
0x23: {  	[sflag:s11] =	ssyncadd.s32 $0xFFFFF000  }
0x24: {  	[tilespmem:s16], [sflag:$0x1] =	stream.linear.gather [hbm4b:s8+s2], $0x1000, $0x38;
	[tilespmem:$0x15000] =	vst v63  }
0x25: {  	_ =	swait.ge [sflag:s11], $0x1000  }
0x26: {  	[sflag:s11] =	ssyncset.done $0x0  }
0x27: {  	s19 =	simm.s32 $0x0;
	[sflag:s11] =	ssyncadd.s32 $0xFFFFF000  }
0x28: {  	v0 =	vld [tilespmem:s19+$0x0];
	_ =	sdelay $0x1  }
0x29: {  	v1 =	vld [tilespmem:s19+$0x4000]  }
0x2a: {  	v2 =	vld [tilespmem:s19+$0x8000];
	_ =	sdelay $0x1  }
0x2b: {  	v3 =	vshrl.u32 v0, $0x10  }
0x2c: {  	v3 =	vand.u32 $0x1, v3  }
0x2d: {  	v4 =	vmul.f32 v0, v0;
	v5 =	vshrl.u32 v1, $0x10;
	v0 =	vadd.s32 v3, v0  }
0x2e: {  	v3 =	vand.u32 $0x1, v5;
	v5 =	vshrl.u32 v2, $0x10;
	v0 =	vadd.s32 $0x7FFF, v0  }
0x2f: {  	v3 =	vadd.s32 v3, v1;
	v5 =	vand.u32 $0x1, v5;
	v1 =	vmul.f32 v1, v1  }
0x30: {  	v0 =	vand.u32 $0xFFFF0000, v0;
	v3 =	vadd.s32 $0x7FFF, v3;
	v5 =	vadd.s32 v5, v2  }
0x31: {  	s20 =	simm.s32 $0x10;
	[tilespmem:s19+$0x0] =	vst v0;
	v3 =	vand.u32 $0xFFFF0000, v3;
	v5 =	vadd.s32 $0x7FFF, v5  }
0x32: {  	s21 =	simm.s32 $0x80;
	v2 =	vmul.f32 v2, v2;
	v1 =	vadd.f32 v1, v4;
	v0 =	vld [tilespmem:s20+$0x0];
	[tilespmem:s19+$0x4000] =	vst v3;
	v3 =	vand.u32 $0xFFFF0000, v5  }
.LBB2_2:
0x33: {  	p0 =	sne.s32 s21, $0xFFC0;
	v4 =	vld [tilespmem:s20+$0x4000];
	[tilespmem:s19+$0x8000] =	vst v3  }
0x34: {  	v3 =	vld [tilespmem:s20+$0x8000];
	v1 =	vadd.f32 v2, v1;
	_ =	sdelay $0x1  }
0x35: {  	[tilespmem:s19+$0xC000] =	vst v1;
	s19 =	smov.u32 s20  }
0x36: {  	v1 =	vmul.f32 v0, v0;
	v2 =	vshrl.u32 v0, $0x10  }
0x37: {  	v5 =	vmul.f32 v4, v4;
	v2 =	vand.u32 $0x1, v2;
	v6 =	vshrl.u32 v4, $0x10  }
.Ltmp0:
0x38: {  	v0 =	vadd.s32 v2, v0;
	v2 =	vand.u32 $0x1, v6;
	v6 =	vshrl.u32 v3, $0x10;
	(pc) =	sbr.rel @p0 .LBB2_2-.Ltmp0, $4  }
0x39: {  	v0 =	vadd.s32 $0x7FFF, v0;
	v2 =	vadd.s32 v2, v4;
	v4 =	vand.u32 $0x1, v6  }
0x3a: {  	v0 =	vand.u32 $0xFFFF0000, v0;
	v2 =	vadd.s32 $0x7FFF, v2;
	v4 =	vadd.s32 v4, v3  }
0x3b: {  	s20 =	sshra.s32 s21, $0x2;
	v1 =	vadd.f32 v5, v1;
	[tilespmem:s19+$0x0] =	vst v0;
	v5 =	vand.u32 $0xFFFF0000, v2;
	v4 =	vadd.s32 $0x7FFF, v4  }
0x3c: {  	s21 =	sadd.s32 $0x40, s21;
	v2 =	vmul.f32 v3, v3;
	v0 =	vld [tilespmem:s20+$0x0];
	[tilespmem:s19+$0x4000] =	vst v5;
	v3 =	vand.u32 $0xFFFF0000, v4  }
0x3d: {  	v4 =	vld [tilespmem:s20+$0x4000]  }
0x3e: {  	[tilespmem:s19+$0x8000] =	vst v3  }
0x3f: {  	v3 =	vld [tilespmem:s20+$0x8000];
	_ =	sdelay $0x1  }
0x40: {  	v1 =	vadd.f32 v2, v1;
	v2 =	vshrl.u32 v0, $0x10  }
0x41: {  	v5 =	vmul.f32 v0, v0;
	v2 =	vand.u32 $0x1, v2;
	v6 =	vshrl.u32 v4, $0x10  }
0x42: {  	v0 =	vadd.s32 v2, v0;
	v2 =	vmul.f32 v4, v4;
	v6 =	vand.u32 $0x1, v6  }
0x43: {  	v63 =	vshrl.u32 v3, $0x10;
	v4 =	vadd.s32 v6, v4;
	v0 =	vadd.s32 $0x7FFF, v0  }
0x44: {  	v6 =	vand.u32 $0x1, v63;
	v0 =	vand.u32 $0xFFFF0000, v0;
	v4 =	vadd.s32 $0x7FFF, v4  }
0x45: {  	[tilespmem:s19+$0xC000] =	vst v1;
	v1 =	vadd.s32 v6, v3;
	v2 =	vadd.f32 v2, v5;
	v3 =	vmul.f32 v3, v3  }
0x46: {  	[tilespmem:s20+$0x0] =	vst v0;
	v0 =	vand.u32 $0xFFFF0000, v4;
	v1 =	vadd.s32 $0x7FFF, v1  }
0x47: {  	[tilespmem:s20+$0x4000] =	vst v0;
	v0 =	vand.u32 $0xFFFF0000, v1;
	v1 =	vadd.f32 v3, v2  }
0x48: {  	[tilespmem:s20+$0x8000] =	vst v0  }
0x49: {  	[tilespmem:s20+$0xC000] =	vst v1;
	s20 =	simm.s32 $0x0  }
0x4a: {  	v0 =	vld [tilespmem:s20+$0x10000];
	_ =	sdelay $0x1  }
0x4b: {  	v1 =	vld [tilespmem:s20+$0x11000]  }
0x4c: {  	v2 =	vld [tilespmem:s20+$0x12000];
	_ =	sdelay $0x1  }
0x4d: {  	v3 =	vshrl.u32 v0, $0x10  }
0x4e: {  	v3 =	vand.u32 $0x1, v3  }
0x4f: {  	v4 =	vmul.f32 v0, v0;
	v5 =	vshrl.u32 v1, $0x10;
	v0 =	vadd.s32 v3, v0  }
0x50: {  	v3 =	vand.u32 $0x1, v5;
	v5 =	vshrl.u32 v2, $0x10;
	v0 =	vadd.s32 $0x7FFF, v0  }
0x51: {  	v3 =	vadd.s32 v3, v1;
	v5 =	vand.u32 $0x1, v5;
	v1 =	vmul.f32 v1, v1  }
0x52: {  	v0 =	vand.u32 $0xFFFF0000, v0;
	v3 =	vadd.s32 $0x7FFF, v3;
	v5 =	vadd.s32 v5, v2  }
0x53: {  	s21 =	simm.s32 $0x10;
	[tilespmem:s20+$0x10000] =	vst v0;
	v3 =	vand.u32 $0xFFFF0000, v3;
	v5 =	vadd.s32 $0x7FFF, v5  }
0x54: {  	s22 =	simm.s32 $0x80;
	s19 =	simm.s32 $0x0;
	v2 =	vmul.f32 v2, v2;
	v1 =	vadd.f32 v1, v4;
	v0 =	vld [tilespmem:s21+$0x10000];
	[tilespmem:s20+$0x11000] =	vst v3;
	v3 =	vand.u32 $0xFFFF0000, v5  }
.LBB2_4:
0x55: {  	p0 =	sne.s32 s22, $0x3FC0;
	v4 =	vld [tilespmem:s21+$0x11000];
	[tilespmem:s20+$0x12000] =	vst v3  }
0x56: {  	v3 =	vld [tilespmem:s21+$0x12000];
	v1 =	vadd.f32 v2, v1;
	_ =	sdelay $0x1  }
0x57: {  	[tilespmem:s20+$0x13000] =	vst v1;
	s20 =	smov.u32 s21  }
0x58: {  	v1 =	vmul.f32 v0, v0;
	v2 =	vshrl.u32 v0, $0x10  }
0x59: {  	v5 =	vmul.f32 v4, v4;
	v2 =	vand.u32 $0x1, v2;
	v6 =	vshrl.u32 v4, $0x10  }
.Ltmp1:
0x5a: {  	v0 =	vadd.s32 v2, v0;
	v2 =	vand.u32 $0x1, v6;
	v6 =	vshrl.u32 v3, $0x10;
	(pc) =	sbr.rel @p0 .LBB2_4-.Ltmp1, $4  }
0x5b: {  	v0 =	vadd.s32 $0x7FFF, v0;
	v2 =	vadd.s32 v2, v4;
	v4 =	vand.u32 $0x1, v6  }
0x5c: {  	v0 =	vand.u32 $0xFFFF0000, v0;
	v2 =	vadd.s32 $0x7FFF, v2;
	v4 =	vadd.s32 v4, v3  }
0x5d: {  	s21 =	sshra.s32 s22, $0x2;
	v1 =	vadd.f32 v5, v1;
	[tilespmem:s20+$0x10000] =	vst v0;
	v5 =	vand.u32 $0xFFFF0000, v2;
	v4 =	vadd.s32 $0x7FFF, v4  }
0x5e: {  	s22 =	sadd.s32 $0x40, s22;
	v2 =	vmul.f32 v3, v3;
	v0 =	vld [tilespmem:s21+$0x10000];
	[tilespmem:s20+$0x11000] =	vst v5;
	v3 =	vand.u32 $0xFFFF0000, v4  }
0x5f: {  	v4 =	vld [tilespmem:s21+$0x11000]  }
0x60: {  	[tilespmem:s20+$0x12000] =	vst v3  }
0x61: {  	v3 =	vld [tilespmem:s21+$0x12000];
	_ =	sdelay $0x1  }
0x62: {  	v1 =	vadd.f32 v2, v1;
	v56 =	vshrl.u32 v0, $0x10  }
0x63: {  	v5 =	vmul.f32 v0, v0;
	v2 =	vand.u32 $0x1, v56;
	v6 =	vshrl.u32 v4, $0x10  }
0x64: {  	v58 =	vmul.f32 v4, v4;
	v57 =	vadd.s32 v2, v0;
	v6 =	vand.u32 $0x1, v6  }
0x65: {  	v59 =	vshrl.u32 v3, $0x10;
	v4 =	vadd.s32 v6, v4;
	v0 =	vadd.s32 $0x7FFF, v57  }
0x66: {  	v6 =	vand.u32 $0x1, v59;
	v2 =	vadd.f32 v58, v5;
	v0 =	vand.u32 $0xFFFF0000, v0  }
0x67: {  	[tilespmem:s20+$0x13000] =	vst v1;
	v4 =	vadd.s32 $0x7FFF, v4;
	v60 =	vadd.s32 v6, v3;
	v3 =	vmul.f32 v3, v3  }
0x68: {  	[tilespmem:s21+$0x10000] =	vst v0;
	v61 =	vand.u32 $0xFFFF0000, v4;
	v1 =	vadd.s32 $0x7FFF, v60  }
0x69: {  	[tilespmem:s21+$0x11000] =	vst v61;
	v62 =	vand.u32 $0xFFFF0000, v1;
	v63 =	vadd.f32 v3, v2  }
0x6a: {  	[tilespmem:s21+$0x12000] =	vst v62  }
0x6b: {  	[tilespmem:s21+$0x13000] =	vst v63  }
.LBB2_6:
0x6c: {  	s20 =	sshll.u32 s19, $0x4  }
0x6d: {  	v0 =	vld [tilespmem:s20+$0x10000]  }
0x6e: {  	v1 =	vld [tilespmem:s20+$0x11000]  }
0x6f: {  	s24 =	simm.s32 $0x0;
	v2 =	vld [tilespmem:s20+$0x12000]  }
0x70: {  	s21 =	simm.s32 $0x4000;
	v7 =	vld [tilespmem:s24+$0x0]  }
0x71: {  	s22 =	simm.s32 $0xC000;
	v8 =	vld [tilespmem:s21+$0x0]  }
0x72: {  	v9 =	vld [tilespmem:s22+$0x0]  }
0x73: {  	s23 =	simm.s32 $0x8000;
	v3 =	vadd.f32 v0, v0  }
0x74: {  	v10 =	vld [tilespmem:s23+$0x0]  }
0x75: {  	v4 =	vadd.f32 v1, v1;
	v6 =	vmul.f32 v7, v3;
	_ =	sdelay $0x1  }
0x76: {  	v5 =	vadd.f32 v2, v2;
	v11 =	vmul.f32 v8, v4;
	v6 =	vsub.f32 v9, v6;
	_ =	sdelay $0x1  }
0x77: {  	v6 =	vsub.f32 v6, v11;
	v11 =	vmul.f32 v10, v5;
	_ =	sdelay $0x1  }
0x78: {  	v11 =	vsub.f32 v6, v11  }
0x79: {  	v6 =	vimm.f32 $+Inf  }
0x7a: {  	vm0 =	vlt.f32 v11, v6  }
0x7b: {  	v11 =	vmpcnt.ones.xlane vm0;
	_ =	sdelay $0x1  }
0x7c: {  	(v2sf) =	vpush v11, $0x0;
	_ =	sdelay $0xe  }
0x7d: {  	s25 =	spop (v2sf)  }
0x7e: {  	p0 =	slt.s32 s25, $0x1  }
0x7f: {  	v11 =	vmul.f32 @!p0 v7, v0;
	v8 =	vmul.f32 @!p0 v8, v1  }
0x80: {  	v7 =	vld [tilespmem:s20+$0x13000]  }
0x81: {  	v10 =	vmul.f32 @!p0 v10, v2;
	v8 =	vadd.f32 @!p0 v8, v11;
	_ =	sdelay $0x1  }
0x82: {  	v8 =	vadd.f32 @!p0 v10, v8;
	_ =	sdelay $0x1  }
0x83: {  	v9 =	vadd.f32 @!p0 v9, v7;
	v8 =	vadd.f32 @!p0 v8, v8;
	_ =	sdelay $0x1  }
0x84: {  	v8 =	vsub.f32 @!p0 v9, v8  }
0x85: {  	v9 =	vlaneseq.u32 @!p0  }
0x86: {  	v9 =	vor.u32 @!p0 s24, v9;
	v8 =	vmax.f32 @!p0 v8, $0.0e+00  }
0x87: {  	(xrf1) =	vsort.dscd.msk.f32 @!p0 $0xffff, v8, v9;
	_ =	sdelay $0xd  }
0x88: {  	v9, v10, _ =	vpop @!p0 (xrf1)  }
0x89: {  	v8 =	vimm.s32 $0x0;
	vm0 =	vle.f32 @!p0 v6, v9  }
0x8a: {  	v9 =	vsel @!p0 vm0, v6, v9;
	v10 =	vsel @!p0 vm0, v8, v10  }
0x8b: {  	(xrf1) =	vsort.ascd.msk.f32 @!p0 $0xffff, v9, v10;
	_ =	sdelay $0x7  }
0x8c: {  	s25 =	simm.s32 $0x10;
	s24 =	simm.s32 $0x10;
	v9 =	vimm.f32 $+Inf  }
.LBB2_7:
0x8d: {  	v10 =	vld [tilespmem:s24+$0x0];
	s21 =	sadd.s32 $0x10, s21;
	s26 =	smov.u32 s25;
	s25 =	sadd.s32 $0x10, s25  }
0x8e: {  	s22 =	sadd.s32 $0x10, s22;
	v11 =	vld [tilespmem:s21+$0x0];
	p1 =	sne.s32 s25, $0x4000  }
0x8f: {  	v12 =	vld [tilespmem:s22+$0x0]  }
0x90: {  	s23 =	sadd.s32 $0x10, s23  }
0x91: {  	v13 =	vld [tilespmem:s23+$0x0]  }
0x92: {  	v14 =	vmul.f32 v10, v3;
	v15, v16, _ =	vpop @!p0 (xrf1)  }
0x93: {  	v17 =	vbroadcast @!p0 v15, $0xF;
	v6 =	vpsel p0, v6, v15;
	v8 =	vpsel p0, v8, v16  }
0x94: {  	v15 =	vmul.f32 v11, v4;
	v14 =	vsub.f32 v12, v14  }
0x95: {  	v16 =	vsub.f32 @!p0 v17, v7  }
0x96: {  	v14 =	vsub.f32 v14, v15;
	v15 =	vmul.f32 v13, v5  }
0x97: {  	v16 =	vadd.f32 @!p0 $9.999999740e-05, v16  }
0x98: {  	v14 =	vsub.f32 v14, v15  }
0x99: {  	v9 =	vpsel p0, v9, v16  }
0x9a: {  	vm0 =	vlt.f32 v14, v9  }
0x9b: {  	v14 =	vmpcnt.ones.xlane vm0;
	_ =	sdelay $0x1  }
0x9c: {  	(v2sf) =	vpush v14, $0x0;
	_ =	sdelay $0xe  }
0x9d: {  	s28 =	spop (v2sf)  }
0x9e: {  	p0 =	slt.s32 s28, $0x1  }
0x9f: {  	v10 =	vmul.f32 @!p0 v10, v0;
	v11 =	vmul.f32 @!p0 v11, v1;
	_ =	sdelay $0x1  }
0xa0: {  	v10 =	vadd.f32 @!p0 v11, v10;
	v11 =	vmul.f32 @!p0 v13, v2;
	_ =	sdelay $0x1  }
0xa1: {  	v10 =	vadd.f32 @!p0 v11, v10;
	_ =	sdelay $0x1  }
0xa2: {  	v11 =	vadd.f32 @!p0 v12, v7;
	v10 =	vadd.f32 @!p0 v10, v10;
	_ =	sdelay $0x1  }
0xa3: {  	v10 =	vsub.f32 @!p0 v11, v10  }
0xa4: {  	v11 =	vlaneseq.u32 @!p0  }
0xa5: {  	v11 =	vor.u32 @!p0 s26, v11;
	v10 =	vmax.f32 @!p0 v10, $0.0e+00  }
0xa6: {  	(xrf1) =	vsort.dscd.msk.f32 @!p0 $0xffff, v10, v11;
	_ =	sdelay $0xd  }
0xa7: {  	v10, v11, _ =	vpop @!p0 (xrf1)  }
0xa8: {  	vm0 =	vle.f32 @!p0 v6, v10  }
0xa9: {  	v10 =	vsel @!p0 vm0, v6, v10;
	v11 =	vsel @!p0 vm0, v8, v11  }
0xaa: {  	(xrf1) =	vsort.ascd.msk.f32 @!p0 $0xffff, v10, v11;
	_ =	sdelay $0x3  }
.Ltmp2:
0xab: {  	(pc) =	sbr.rel @p1 .LBB2_7-.Ltmp2, $2  }
0xac: {  	_ =	sdelay $0x2  }
0xad: {  	s24 =	sadd.s32 $0x10, s24  }
0xae: {  	_ =	sdelay $0x4  }
0xaf: {  	s19 =	sadd.s32 $0x1, s19;
	v0, v1, _ =	vpop @!p0 (xrf1)  }
0xb0: {  	v0 =	vpsel p0, v8, v1;
	p0 =	sne.s32 s19, $0x100  }
.Ltmp3:
0xb1: {  	_ = 	snop;
	(pc) =	sbr.rel @p0 .LBB2_6-.Ltmp3, $2  }
0xb2: {  	_ =	sdelay $0x2  }
0xb3: {  	[tilespmem:s20+$0x14000] =	vst v0  }
0xb4: {  	s18 =	sadd.s32 $0x1, s18  }
0xb5: {  	p0 =	sne.s32 s18, s10  }
.Ltmp4:
0xb6: {  	_ = 	snop;
	(pc) =	sbr.rel @p0 .LBB2_1-.Ltmp4, $4  }
0xb7: {  	[hbm4b:s9+s2] =	stream.linear.scatter [tilespmem:s17], [sflag:$0x1], $0x1000, $0x38;
	[tilespmem:$0x15000] =	vst v63  }
0xb8: {  	_ =	swait.ge [sflag:s11], $0x1000  }
0xb9: {  	[sflag:s11] =	ssyncset.done $0x0  }
0xba: {  	[sflag:s11] =	ssyncadd.s32 $0xFFFFF000  }
0xbb: {  	_ =	sfence.sel $0x180000  }
0xbc: {  	[bflag:$0x0] =	sbarrier.arrive $0xFFFF  }
0xbd: {  	p0 =	sne.s32 s0, $0x0;
	_ =	strace $0x90000047  }
0xbe: {  	s0 =	sadd.s32 @!p0 $0x100000, s1;
	[bflag:$0x2] =	sbarrier.arrive $0xFFFF  }
0xbf: {  	[sflag:s0] =	ssyncadd.tile.s32 @!p0 $0x1;
	_ =	shalt  }
.Lfunc_end2:
_tile_overlayer_lowered:
.L_overlay_start_2:
0xc0: {  	(tag) =	ssettag $0x2  }
0xc1: {  	s0 =	rddreg [dreg:$0x0];
	s2 =	stileid.u32  }
0xc2: {  	s1 =	rddreg [dreg:$0x1];
	p0 =	sne.s32 s2, $0x0  }
0xc3: {  	s3 =	rddreg [dreg:$0x2];
	[bflag:$0x3] =	sbarrier.arrive $0xFFFF;
	s2 =	simm.s32 @!p0 $0x1C01  }
0xc4: {  	[timem:s3], [sflag:s2] =	dma.local @!p0 [hbm:s0], s1  }
0xc5: {  	s0 =	simm.s32 @!p0 $0x1  }
0xc6: {  	_ =	swait.ge @!p0 [sflag:s0], s1  }
0xc7: {  	s1 =	ssub.s32 @!p0 $0x0, s1;
	[sflag:s0] =	ssyncset.done @!p0 $0x0  }
0xc8: {  	[sflag:s0] =	ssyncadd.s32 @!p0 s1  }
0xc9: {  	[bflag:$0x3] =	sbarrier.arrive $0xFFFF  }
0xca: {  	_ =	shalt  }

</sc_bundles>
